<compile_context>
chip_gen: v7x
topology: tpu7x:2x2x1
jax: 0.10.2.dev20260603
libtpu: 0.0.44.dev20260713+nightly
codegen_flags: <defaults>
</compile_context>

<pallas_src>
import functools

import jax
import jax.numpy as jnp
from jax import lax
from jax.experimental import pallas as pl
from jax.experimental.pallas import tpu as pltpu
from jax.experimental.pallas import tpu_sc as plsc

_P = (1 << 31) - 1
_B = 16
_N = 2048
_L = 16
_CHUNKS = _N // _L


def _hash_body(flat_hbm, out_hbm, seq_v, ab_v, out_v, sem):
    wid = lax.axis_index("s")

    cp1 = pltpu.async_copy(
        flat_hbm.at[pl.ds(wid * jnp.int32(_N), _N)], seq_v, sem
    )
    cp2 = pltpu.async_copy(
        flat_hbm.at[pl.ds(jnp.int32(_B * _N), _N + _L)], ab_v, sem
    )
    cp1.wait()
    cp2.wait()
    b_vec = ab_v[pl.ds(jnp.int32(_N), _L)].astype(jnp.uint32)
    lane15 = jnp.full((_L,), 15, jnp.int32)
    zero_u = jnp.zeros((_L,), jnp.uint32)

    def take_last(v):
        return v.at[lane15].get(mode="promise_in_bounds")

    @plsc.parallel_loop(
        jnp.int32(0),
        jnp.int32(_N),
        step=jnp.int32(_L),
        unroll=4,
        carry=(b_vec & 0xFFFF, b_vec >> 16, zero_u, zero_u),
    )
    def _main(base, carry):
        c0, c1, c2, nzv = carry
        xi = seq_v[pl.ds(base, _L)]
        ai = ab_v[pl.ds(base, _L)]
        x = xi.astype(jnp.uint32)
        a = ai.astype(jnp.uint32)
        x0 = x & 0xFFFF
        x1 = x >> 16
        a0 = a & 0xFFFF
        a1 = a >> 16
        p00 = x0 * a0
        mid = x1 * a0 + x0 * a1
        p11 = x1 * a1
        e0 = p00 & 0xFFFF
        e1 = (p00 >> 16) + (mid & 0xFFFF)
        e2 = (mid >> 16) + p11
        s0 = plsc.cumsum(e0) + c0
        s1 = plsc.cumsum(e1) + c1
        s2 = plsc.cumsum(e2) + c2
        u = 2 * s2 + (s1 >> 15) + ((s1 & 0x7FFF) << 16) + s0
        u = (u >> 31) + (u & _P)
        w = jnp.minimum(u, u - _P)
        out_v[pl.ds(base, _L)] = ((w & 0xFFFF) + 1).astype(jnp.int32)
        nzv = nzv + jnp.minimum(x, 1)
        return (take_last(s0), take_last(s1), take_last(s2), nzv)

    _, _, _, nzv = _main
    nz = jnp.sum(nzv, dtype=jnp.int32)

    last_idx = jnp.clip(nz - jnp.int32(1), jnp.int32(0), jnp.int32(_N - 1))
    idxs = jnp.zeros((_L,), jnp.int32) + last_idx
    last_val = plsc.load_gather(out_v, [idxs])
    k0 = lax.shift_right_logical(nz, jnp.int32(4))

    def pad_body(k, carry):
        base = k * jnp.int32(_L)
        pos = base + lax.iota(jnp.int32, _L)
        cur = out_v[pl.ds(base, _L)]
        out_v[pl.ds(base, _L)] = jnp.where(pos >= nz, last_val, cur)
        return carry

    lax.fori_loop(k0, jnp.int32(_CHUNKS), pad_body, jnp.int32(0))
    pltpu.sync_copy(out_v, out_hbm.at[wid])


_hash_kernel = functools.partial(
    pl.kernel,
    out_type=jax.ShapeDtypeStruct((_B, _N), jnp.int32),
    mesh=plsc.VectorSubcoreMesh(
        core_axis_name="c", subcore_axis_name="s", num_cores=1, num_subcores=16
    ),
    scratch_types=[
        pltpu.VMEM((_N,), jnp.int32),
        pltpu.VMEM((_N + _L,), jnp.int32),
        pltpu.VMEM((_N,), jnp.int32),
        pltpu.SemaphoreType.DMA,
    ],
    compiler_params=pltpu.CompilerParams(needs_layout_passes=False),
)(_hash_body)


def kernel(sequences, a, b):
    flat = jnp.concatenate(
        [
            sequences.astype(jnp.int32).reshape(-1),
            a.astype(jnp.int32),
            jnp.full((_L,), b, jnp.int32),
        ]
    )
    out = _hash_kernel(flat)
    return out.astype(jnp.int64)

# --- scband reference (transcript-rebuilt; emitter-appended) ---
"""Pipeline reference for scband-base-hash-code-72756745994542 (READ-ONLY COPY).

The authoritative reference and input builder live on the scoring server;
editing this copy changes nothing except your own understanding.
"""

import jax
jax.config.update("jax_enable_x64", True)
import jax.numpy as jnp
import numpy as np

# HashFamily is not provided in the source; we implement a standard universal
# hashing family over sequence prefixes: h_i = ((sum_{j<=i} a_j * x_j) + b) mod p mod bins,
# with p = 2^31 - 1 (Mersenne prime), coefficients drawn from a fixed seed so the
# hash function is reproducible. mask_zero=True reserves bin 0 (outputs shifted by +1).

P = (1 << 31) - 1
N_PREFIX_HASH_BINS = 65536
MAX_SEQ_LEN = 2048
PAD_TRAILING_ZEROES = True
MASK_ZERO = True
RANDOM_SEED = 42
BATCH = 16
VOCAB = 100000


def setup_inputs(seed: int = 0) -> dict:
    key = jax.random.key(seed)
    sequences = jax.random.randint(key, (BATCH, MAX_SEQ_LEN), 0, VOCAB, dtype=jnp.int64)
    rng = np.random.RandomState(RANDOM_SEED)
    a = jnp.asarray(rng.randint(1, P, size=(MAX_SEQ_LEN,)), dtype=jnp.int64)
    b = jnp.asarray(rng.randint(0, P), dtype=jnp.int64)
    return {"sequences": sequences, "a": a, "b": b}


def reference(sequences, a, b):
    n_digits = sequences.shape[-1]
    # prefix hash: ((cumsum_j a_j * x_j) + b) mod p mod bins
    terms = ((sequences % P) * (a[None, :] % P)) % P
    csum = jnp.cumsum(terms, axis=-1) % P  # sums of 2048 values < 2^31 fit in int64
    prefix_ids = ((csum + b) % P) % N_PREFIX_HASH_BINS
    if MASK_ZERO:
        prefix_ids = prefix_ids + 1  # reserve bin 0 for padding
    if PAD_TRAILING_ZEROES:
        code_len = jnp.sum(sequences != 0, axis=-1)  # [B]
        pos = jnp.arange(n_digits)[None, :]
        last_idx = jnp.clip(code_len - 1, 0, n_digits - 1)
        last_val = jnp.take_along_axis(prefix_ids, last_idx[:, None], axis=-1)
        prefix_ids = jnp.where(pos >= code_len[:, None], last_val, prefix_ids)
    return prefix_ids

if __name__ == "__main__":
    import jax
    _d = setup_inputs()
    print(jax.jit(kernel)(*tuple(_d.values())))

</pallas_src>

<mosaic_0001>
#map = affine_map<(d0, d1) -> (0)>
#map1 = affine_map<(d0, d1) -> (0, 0)>
module attributes {stable_mosaic.version = 14 : i64} {
  func.func @_hash_body(%arg0: i32, %arg1: i32, %arg2: memref<34832xi32, #tpu.memory_space<hbm>>, %arg3: memref<16x2048xi32, #tpu.memory_space<hbm>>, %arg4: memref<2048xi32, #tpu.memory_space<vmem>>, %arg5: memref<2064xi32, #tpu.memory_space<vmem>>, %arg6: memref<2048xi32, #tpu.memory_space<vmem>>, %arg7: memref<!tpu.dma_semaphore, #tpu.memory_space<semaphore_mem>>) attributes {dimension_semantics = [#tpu.dimension_semantics<core_parallel>, #tpu.dimension_semantics<subcore_parallel>], iteration_bounds = array<i64: 1, 16>, scalar_prefetch = 0 : i64, scratch_operands = 4 : i64, tpu.core_type = #tpu.core_type<sc_vector_subcore>, window_params = [{transform_indices = #map}, {transform_indices = #map1}]} {
    %mul3A = arith.constant 2048 : i32
    %mul3A_0 = arith.muli %arg1, %mul3A : i32
    %dma_start3A = tpu.memref_slice %arg2[%mul3A_0] : memref<34832xi32, #tpu.memory_space<hbm>> -> memref<2048xi32, #tpu.memory_space<hbm>>
    %dma_start3A_1 = tpu.memref_slice %arg2[%mul3A_0] : memref<34832xi32, #tpu.memory_space<hbm>> -> memref<2048xi32, #tpu.memory_space<hbm>>
    tpu.enqueue_dma source(%dma_start3A_1 : memref<2048xi32, #tpu.memory_space<hbm>>) target(%arg4 : memref<2048xi32, #tpu.memory_space<vmem>>) target_semaphore(%arg7 : memref<!tpu.dma_semaphore, #tpu.memory_space<semaphore_mem>>)
    %dma_start3A_2 = arith.constant 32768 : i32
    %dma_start3A_3 = tpu.memref_slice %arg2[%dma_start3A_2] : memref<34832xi32, #tpu.memory_space<hbm>> -> memref<2064xi32, #tpu.memory_space<hbm>>
    %dma_start3A_4 = tpu.memref_slice %arg2[%dma_start3A_2] : memref<34832xi32, #tpu.memory_space<hbm>> -> memref<2064xi32, #tpu.memory_space<hbm>>
    tpu.enqueue_dma source(%dma_start3A_4 : memref<2064xi32, #tpu.memory_space<hbm>>) target(%arg5 : memref<2064xi32, #tpu.memory_space<vmem>>) target_semaphore(%arg7 : memref<!tpu.dma_semaphore, #tpu.memory_space<semaphore_mem>>)
    %dma_wait3A = tpu.memref_slice %arg2[%mul3A_0] : memref<34832xi32, #tpu.memory_space<hbm>> -> memref<2048xi32, #tpu.memory_space<hbm>>
    %dma_wait3A_5 = tpu.memref_slice %arg2[%mul3A_0] : memref<34832xi32, #tpu.memory_space<hbm>> -> memref<2048xi32, #tpu.memory_space<hbm>>
    tpu.wait_dma2 semaphore(%arg7 : memref<!tpu.dma_semaphore, #tpu.memory_space<semaphore_mem>>) src(%dma_wait3A_5 : memref<2048xi32, #tpu.memory_space<hbm>>) dst(%arg4 : memref<2048xi32, #tpu.memory_space<vmem>>)
    %dma_wait3A_6 = arith.constant 32768 : i32
    %dma_wait3A_7 = tpu.memref_slice %arg2[%dma_wait3A_6] : memref<34832xi32, #tpu.memory_space<hbm>> -> memref<2064xi32, #tpu.memory_space<hbm>>
    %dma_wait3A_8 = tpu.memref_slice %arg2[%dma_wait3A_6] : memref<34832xi32, #tpu.memory_space<hbm>> -> memref<2064xi32, #tpu.memory_space<hbm>>
    tpu.wait_dma2 semaphore(%arg7 : memref<!tpu.dma_semaphore, #tpu.memory_space<semaphore_mem>>) src(%dma_wait3A_8 : memref<2064xi32, #tpu.memory_space<hbm>>) dst(%arg5 : memref<2064xi32, #tpu.memory_space<vmem>>)
    %get3A = arith.constant 2048 : i32
    %get3A_9 = arith.index_cast %get3A : i32 to index
    %get3A_10 = tpu.vector_load %arg5[%get3A_9] {strides = array<i32>} : memref<2064xi32, #tpu.memory_space<vmem>>, vector<16xi32>,
    %broadcast_in_dim3A = arith.constant 15 : i32
    %broadcast_in_dim3A_11 = vector.broadcast %broadcast_in_dim3A : i32 to vector<16xi32>
    %broadcast_in_dim3A_12 = arith.constant 0 : i32
    %broadcast_in_dim3A_13 = vector.broadcast %broadcast_in_dim3A_12 : i32 to vector<16xi32>
    %and3A = arith.constant 65535 : i32
    %and3A_14 = vector.broadcast %and3A : i32 to vector<16xi32>
    %and3A_15 = arith.andi %get3A_10, %and3A_14 : vector<16xi32>
    %shift_right_logical3A = arith.constant 16 : i32
    %shift_right_logical3A_16 = vector.broadcast %shift_right_logical3A : i32 to vector<16xi32>
    %shift_right_logical3A_17 = arith.shrui %get3A_10, %shift_right_logical3A_16 : vector<16xi32>
    %parallel_loop3A = arith.constant 0 : i32
    %parallel_loop3A_18 = arith.constant 2048 : i32
    %parallel_loop3A_19 = arith.constant 16 : i32
    %parallel_loop3A_20:4 = scf.for %parallel_loop3A_40 = %parallel_loop3A to %parallel_loop3A_18 step %parallel_loop3A_19 iter_args(%parallel_loop3A_41 = %and3A_15, %parallel_loop3A_42 = %shift_right_logical3A_17, %parallel_loop3A_43 = %broadcast_in_dim3A_13, %parallel_loop3A_44 = %broadcast_in_dim3A_13) -> (vector<16xi32>, vector<16xi32>, vector<16xi32>, vector<16xi32>)  : i32 {
      %parallel_loop3A_45 = arith.index_cast %parallel_loop3A_40 : i32 to index
      %parallel_loop3A_46 = tpu.vector_load %arg4[%parallel_loop3A_45] {strides = array<i32>} : memref<2048xi32, #tpu.memory_space<vmem>>, vector<16xi32>,
      %parallel_loop3A_47 = arith.index_cast %parallel_loop3A_40 : i32 to index
      %parallel_loop3A_48 = tpu.vector_load %arg5[%parallel_loop3A_47] {strides = array<i32>} : memref<2064xi32, #tpu.memory_space<vmem>>, vector<16xi32>,
      %parallel_loop3A_49 = arith.constant 65535 : i32
      %parallel_loop3A_50 = vector.broadcast %parallel_loop3A_49 : i32 to vector<16xi32>
      %parallel_loop3A_51 = arith.andi %parallel_loop3A_46, %parallel_loop3A_50 : vector<16xi32>
      %parallel_loop3A_52 = arith.constant 16 : i32
      %parallel_loop3A_53 = vector.broadcast %parallel_loop3A_52 : i32 to vector<16xi32>
      %parallel_loop3A_54 = arith.shrui %parallel_loop3A_46, %parallel_loop3A_53 : vector<16xi32>
      %parallel_loop3A_55 = arith.constant 65535 : i32
      %parallel_loop3A_56 = vector.broadcast %parallel_loop3A_55 : i32 to vector<16xi32>
      %parallel_loop3A_57 = arith.andi %parallel_loop3A_48, %parallel_loop3A_56 : vector<16xi32>
      %parallel_loop3A_58 = arith.constant 16 : i32
      %parallel_loop3A_59 = vector.broadcast %parallel_loop3A_58 : i32 to vector<16xi32>
      %parallel_loop3A_60 = arith.shrui %parallel_loop3A_48, %parallel_loop3A_59 : vector<16xi32>
      %parallel_loop3A_61 = arith.muli %parallel_loop3A_51, %parallel_loop3A_57 : vector<16xi32>
      %parallel_loop3A_62 = arith.muli %parallel_loop3A_54, %parallel_loop3A_57 : vector<16xi32>
      %parallel_loop3A_63 = arith.muli %parallel_loop3A_51, %parallel_loop3A_60 : vector<16xi32>
      %parallel_loop3A_64 = arith.addi %parallel_loop3A_62, %parallel_loop3A_63 : vector<16xi32>
      %parallel_loop3A_65 = arith.muli %parallel_loop3A_54, %parallel_loop3A_60 : vector<16xi32>
      %parallel_loop3A_66 = arith.constant 65535 : i32
      %parallel_loop3A_67 = vector.broadcast %parallel_loop3A_66 : i32 to vector<16xi32>
      %parallel_loop3A_68 = arith.andi %parallel_loop3A_61, %parallel_loop3A_67 : vector<16xi32>
      %parallel_loop3A_69 = arith.constant 16 : i32
      %parallel_loop3A_70 = vector.broadcast %parallel_loop3A_69 : i32 to vector<16xi32>
      %parallel_loop3A_71 = arith.shrui %parallel_loop3A_61, %parallel_loop3A_70 : vector<16xi32>
      %parallel_loop3A_72 = arith.constant 65535 : i32
      %parallel_loop3A_73 = vector.broadcast %parallel_loop3A_72 : i32 to vector<16xi32>
      %parallel_loop3A_74 = arith.andi %parallel_loop3A_64, %parallel_loop3A_73 : vector<16xi32>
      %parallel_loop3A_75 = arith.addi %parallel_loop3A_71, %parallel_loop3A_74 : vector<16xi32>
      %parallel_loop3A_76 = arith.constant 16 : i32
      %parallel_loop3A_77 = vector.broadcast %parallel_loop3A_76 : i32 to vector<16xi32>
      %parallel_loop3A_78 = arith.shrui %parallel_loop3A_64, %parallel_loop3A_77 : vector<16xi32>
      %parallel_loop3A_79 = arith.addi %parallel_loop3A_78, %parallel_loop3A_65 : vector<16xi32>
      %parallel_loop3A_80 = arith.constant true
      %parallel_loop3A_81 = vector.broadcast %parallel_loop3A_80 : i1 to vector<16xi1>
      %parallel_loop3A_82 = tpu.scan <sum>, %parallel_loop3A_68 masked %parallel_loop3A_81 : vector<16xi32>, vector<16xi1> -> vector<16xi32>
      %parallel_loop3A_83 = arith.addi %parallel_loop3A_82, %parallel_loop3A_41 : vector<16xi32>
      %parallel_loop3A_84 = arith.constant true
      %parallel_loop3A_85 = vector.broadcast %parallel_loop3A_84 : i1 to vector<16xi1>
      %parallel_loop3A_86 = tpu.scan <sum>, %parallel_loop3A_75 masked %parallel_loop3A_85 : vector<16xi32>, vector<16xi1> -> vector<16xi32>
      %parallel_loop3A_87 = arith.addi %parallel_loop3A_86, %parallel_loop3A_42 : vector<16xi32>
      %parallel_loop3A_88 = arith.constant true
      %parallel_loop3A_89 = vector.broadcast %parallel_loop3A_88 : i1 to vector<16xi1>
      %parallel_loop3A_90 = tpu.scan <sum>, %parallel_loop3A_79 masked %parallel_loop3A_89 : vector<16xi32>, vector<16xi1> -> vector<16xi32>
      %parallel_loop3A_91 = arith.addi %parallel_loop3A_90, %parallel_loop3A_43 : vector<16xi32>
      %parallel_loop3A_92 = arith.constant 2 : i32
      %parallel_loop3A_93 = vector.broadcast %parallel_loop3A_92 : i32 to vector<16xi32>
      %parallel_loop3A_94 = arith.muli %parallel_loop3A_93, %parallel_loop3A_91 : vector<16xi32>
      %parallel_loop3A_95 = arith.constant 15 : i32
      %parallel_loop3A_96 = vector.broadcast %parallel_loop3A_95 : i32 to vector<16xi32>
      %parallel_loop3A_97 = arith.shrui %parallel_loop3A_87, %parallel_loop3A_96 : vector<16xi32>
      %parallel_loop3A_98 = arith.addi %parallel_loop3A_94, %parallel_loop3A_97 : vector<16xi32>
      %parallel_loop3A_99 = arith.constant 32767 : i32
      %parallel_loop3A_100 = vector.broadcast %parallel_loop3A_99 : i32 to vector<16xi32>
      %parallel_loop3A_101 = arith.andi %parallel_loop3A_87, %parallel_loop3A_100 : vector<16xi32>
      %parallel_loop3A_102 = arith.constant 16 : i32
      %parallel_loop3A_103 = vector.broadcast %parallel_loop3A_102 : i32 to vector<16xi32>
      %parallel_loop3A_104 = arith.shli %parallel_loop3A_101, %parallel_loop3A_103 : vector<16xi32>
      %parallel_loop3A_105 = arith.addi %parallel_loop3A_98, %parallel_loop3A_104 : vector<16xi32>
      %parallel_loop3A_106 = arith.addi %parallel_loop3A_105, %parallel_loop3A_83 : vector<16xi32>
      %parallel_loop3A_107 = arith.constant 31 : i32
      %parallel_loop3A_108 = vector.broadcast %parallel_loop3A_107 : i32 to vector<16xi32>
      %parallel_loop3A_109 = arith.shrui %parallel_loop3A_106, %parallel_loop3A_108 : vector<16xi32>
      %parallel_loop3A_110 = arith.constant 2147483647 : i32
      %parallel_loop3A_111 = vector.broadcast %parallel_loop3A_110 : i32 to vector<16xi32>
      %parallel_loop3A_112 = arith.andi %parallel_loop3A_106, %parallel_loop3A_111 : vector<16xi32>
      %parallel_loop3A_113 = arith.addi %parallel_loop3A_109, %parallel_loop3A_112 : vector<16xi32>
      %parallel_loop3A_114 = arith.constant 2147483647 : i32
      %parallel_loop3A_115 = vector.broadcast %parallel_loop3A_114 : i32 to vector<16xi32>
      %parallel_loop3A_116 = arith.subi %parallel_loop3A_113, %parallel_loop3A_115 : vector<16xi32>
      %parallel_loop3A_117 = arith.minui %parallel_loop3A_113, %parallel_loop3A_116 : vector<16xi32>
      %parallel_loop3A_118 = arith.constant 65535 : i32
      %parallel_loop3A_119 = vector.broadcast %parallel_loop3A_118 : i32 to vector<16xi32>
      %parallel_loop3A_120 = arith.andi %parallel_loop3A_117, %parallel_loop3A_119 : vector<16xi32>
      %parallel_loop3A_121 = arith.constant 1 : i32
      %parallel_loop3A_122 = vector.broadcast %parallel_loop3A_121 : i32 to vector<16xi32>
      %parallel_loop3A_123 = arith.addi %parallel_loop3A_120, %parallel_loop3A_122 : vector<16xi32>
      %parallel_loop3A_124 = arith.index_cast %parallel_loop3A_40 : i32 to index
      %parallel_loop3A_125 = tpu.vector_load %arg6[%parallel_loop3A_124] {strides = array<i32>} : memref<2048xi32, #tpu.memory_space<vmem>>, vector<16xi32>,
      tpu.vector_store %arg6[%parallel_loop3A_124], %parallel_loop3A_123 {strides = array<i32>} : memref<2048xi32, #tpu.memory_space<vmem>>, vector<16xi32>,
      %parallel_loop3A_126 = arith.constant 1 : i32
      %parallel_loop3A_127 = vector.broadcast %parallel_loop3A_126 : i32 to vector<16xi32>
      %parallel_loop3A_128 = arith.minui %parallel_loop3A_46, %parallel_loop3A_127 : vector<16xi32>
      %parallel_loop3A_129 = arith.addi %parallel_loop3A_44, %parallel_loop3A_128 : vector<16xi32>
      %parallel_loop3A_130 = arith.constant 0 : i32
      %parallel_loop3A_131 = vector.broadcast %parallel_loop3A_130 : i32 to vector<16xi32>
      %parallel_loop3A_132 = arith.cmpi slt, %broadcast_in_dim3A_11, %parallel_loop3A_131 : vector<16xi32>
      %parallel_loop3A_133 = arith.constant 16 : i32
      %parallel_loop3A_134 = vector.broadcast %parallel_loop3A_133 : i32 to vector<16xi32>
      %parallel_loop3A_135 = arith.addi %broadcast_in_dim3A_11, %parallel_loop3A_134 : vector<16xi32>
      %parallel_loop3A_136 = arith.select %parallel_loop3A_132, %parallel_loop3A_135, %broadcast_in_dim3A_11 : vector<16xi1>, vector<16xi32>
      %parallel_loop3A_137 = vector.shape_cast %parallel_loop3A_136 : vector<16xi32> to vector<16x1xi32>
      %parallel_loop3A_138 = vector.shape_cast %parallel_loop3A_137 : vector<16x1xi32> to vector<16xi32>
      %parallel_loop3A_139 = tpu.dynamic_gather %parallel_loop3A_83[%parallel_loop3A_138] in [0] : vector<16xi32>, vector<16xi32> -> vector<16xi32>
      %parallel_loop3A_140 = arith.constant 0 : i32
      %parallel_loop3A_141 = vector.broadcast %parallel_loop3A_140 : i32 to vector<16xi32>
      %parallel_loop3A_142 = arith.cmpi slt, %broadcast_in_dim3A_11, %parallel_loop3A_141 : vector<16xi32>
      %parallel_loop3A_143 = arith.constant 16 : i32
      %parallel_loop3A_144 = vector.broadcast %parallel_loop3A_143 : i32 to vector<16xi32>
      %parallel_loop3A_145 = arith.addi %broadcast_in_dim3A_11, %parallel_loop3A_144 : vector<16xi32>
      %parallel_loop3A_146 = arith.select %parallel_loop3A_142, %parallel_loop3A_145, %broadcast_in_dim3A_11 : vector<16xi1>, vector<16xi32>
      %parallel_loop3A_147 = vector.shape_cast %parallel_loop3A_146 : vector<16xi32> to vector<16x1xi32>
      %parallel_loop3A_148 = vector.shape_cast %parallel_loop3A_147 : vector<16x1xi32> to vector<16xi32>
      %parallel_loop3A_149 = tpu.dynamic_gather %parallel_loop3A_87[%parallel_loop3A_148] in [0] : vector<16xi32>, vector<16xi32> -> vector<16xi32>
      %parallel_loop3A_150 = arith.constant 0 : i32
      %parallel_loop3A_151 = vector.broadcast %parallel_loop3A_150 : i32 to vector<16xi32>
      %parallel_loop3A_152 = arith.cmpi slt, %broadcast_in_dim3A_11, %parallel_loop3A_151 : vector<16xi32>
      %parallel_loop3A_153 = arith.constant 16 : i32
      %parallel_loop3A_154 = vector.broadcast %parallel_loop3A_153 : i32 to vector<16xi32>
      %parallel_loop3A_155 = arith.addi %broadcast_in_dim3A_11, %parallel_loop3A_154 : vector<16xi32>
      %parallel_loop3A_156 = arith.select %parallel_loop3A_152, %parallel_loop3A_155, %broadcast_in_dim3A_11 : vector<16xi1>, vector<16xi32>
      %parallel_loop3A_157 = vector.shape_cast %parallel_loop3A_156 : vector<16xi32> to vector<16x1xi32>
      %parallel_loop3A_158 = vector.shape_cast %parallel_loop3A_157 : vector<16x1xi32> to vector<16xi32>
      %parallel_loop3A_159 = tpu.dynamic_gather %parallel_loop3A_91[%parallel_loop3A_158] in [0] : vector<16xi32>, vector<16xi32> -> vector<16xi32>
      scf.yield %parallel_loop3A_139, %parallel_loop3A_149, %parallel_loop3A_159, %parallel_loop3A_129 : vector<16xi32>, vector<16xi32>, vector<16xi32>, vector<16xi32>
    } {sc.loop_unroll_factor = 4 : i64, sc.parallel_access}
    %reduce_sum3A = arith.constant true
    %reduce_sum3A_21 = vector.broadcast %reduce_sum3A : i1 to vector<16xi1>
    %reduce_sum3A_22 = tpu.scan <sum>, %parallel_loop3A_20#3 masked %reduce_sum3A_21 : vector<16xi32>, vector<16xi1> -> vector<16xi32>
    %reduce_sum3A_23 = vector.extract %reduce_sum3A_22[15] : i32 from vector<16xi32>
    %sub3A = arith.constant 1 : i32
    %sub3A_24 = arith.subi %reduce_sum3A_23, %sub3A : i32
    %jit3A = arith.constant 0 : i32
    %jit3A_25 = arith.constant 2047 : i32
    %max3A = arith.maxsi %jit3A, %sub3A_24 : i32
    %min3A = arith.minsi %jit3A_25, %max3A : i32
    %broadcast_in_dim3A_26 = arith.constant 0 : i32
    %broadcast_in_dim3A_27 = vector.broadcast %broadcast_in_dim3A_26 : i32 to vector<16xi32>
    %add3A = vector.broadcast %min3A : i32 to vector<16xi32>
    %add3A_28 = arith.addi %broadcast_in_dim3A_27, %add3A : vector<16xi32>
    %gather3A = tpu.vector_load_idx %arg6[%add3A_28] : memref<2048xi32, #tpu.memory_space<vmem>>[vector<16xi32>], vector<16xi32>,
    %shift_right_logical3A_29 = arith.constant 4 : i32
    %shift_right_logical3A_30 = arith.shrui %reduce_sum3A_23, %shift_right_logical3A_29 : i32
    %while3A = arith.constant 0 : i32
    %while3A_31 = arith.constant 128 : i32
    %while3A_32 = arith.subi %while3A_31, %shift_right_logical3A_30 : i32
    %while3A_33 = arith.addi %shift_right_logical3A_30, %while3A_32 : i32
    %while3A_34 = arith.constant 1 : i32
    %while3A_35 = arith.divsi %while3A_32, %while3A_34 : i32
    %while3A_36 = arith.muli %while3A_35, %while3A_34 : i32
    %while3A_37 = arith.addi %shift_right_logical3A_30, %while3A_36 : i32
    %while3A_38 = arith.constant 1 : i32
    scf.for %while3A_40 = %shift_right_logical3A_30 to %while3A_37 step %while3A_38  : i32 {
      %mul3A_41 = arith.constant 16 : i32
      %mul3A_42 = arith.muli %while3A_40, %mul3A_41 : i32
      %iota3A = tpu.iota {dimensions = array<i32: 0>} : vector<16xi32>
      %add3A_43 = vector.broadcast %mul3A_42 : i32 to vector<16xi32>
      %add3A_44 = arith.addi %add3A_43, %iota3A : vector<16xi32>
      %get3A_45 = arith.index_cast %mul3A_42 : i32 to index
      %get3A_46 = tpu.vector_load %arg6[%get3A_45] {strides = array<i32>} : memref<2048xi32, #tpu.memory_space<vmem>>, vector<16xi32>,
      %ge3A = vector.broadcast %reduce_sum3A_23 : i32 to vector<16xi32>
      %ge3A_47 = arith.cmpi sge, %add3A_44, %ge3A : vector<16xi32>
      %select_n3A = arith.select %ge3A_47, %gather3A, %get3A_46 : vector<16xi1>, vector<16xi32>
      %swap3A = arith.index_cast %mul3A_42 : i32 to index
      %swap3A_48 = tpu.vector_load %arg6[%swap3A] {strides = array<i32>} : memref<2048xi32, #tpu.memory_space<vmem>>, vector<16xi32>,
      tpu.vector_store %arg6[%swap3A], %select_n3A {strides = array<i32>} : memref<2048xi32, #tpu.memory_space<vmem>>, vector<16xi32>,
    }
    %while3A_39 = arith.constant 1 : i32
    scf.for %while3A_40 = %while3A_37 to %while3A_33 step %while3A_39  : i32 {
      %mul3A_41 = arith.constant 16 : i32
      %mul3A_42 = arith.muli %while3A_40, %mul3A_41 : i32
      %iota3A = tpu.iota {dimensions = array<i32: 0>} : vector<16xi32>
      %add3A_43 = vector.broadcast %mul3A_42 : i32 to vector<16xi32>
      %add3A_44 = arith.addi %add3A_43, %iota3A : vector<16xi32>
      %get3A_45 = arith.index_cast %mul3A_42 : i32 to index
      %get3A_46 = tpu.vector_load %arg6[%get3A_45] {strides = array<i32>} : memref<2048xi32, #tpu.memory_space<vmem>>, vector<16xi32>,
      %ge3A = vector.broadcast %reduce_sum3A_23 : i32 to vector<16xi32>
      %ge3A_47 = arith.cmpi sge, %add3A_44, %ge3A : vector<16xi32>
      %select_n3A = arith.select %ge3A_47, %gather3A, %get3A_46 : vector<16xi1>, vector<16xi32>
      %swap3A = arith.index_cast %mul3A_42 : i32 to index
      %swap3A_48 = tpu.vector_load %arg6[%swap3A] {strides = array<i32>} : memref<2048xi32, #tpu.memory_space<vmem>>, vector<16xi32>,
      tpu.vector_store %arg6[%swap3A], %select_n3A {strides = array<i32>} : memref<2048xi32, #tpu.memory_space<vmem>>, vector<16xi32>,
    }
    "tpu.region"() ({
      %run_scoped3A = tpu.sem_alloc : memref<!tpu.dma_semaphore, #tpu.memory_space<semaphore_mem>>
      %dma_start3A_40 = arith.constant 0 : i32
      %dma_start3A_41 = tpu.memref_slice %arg3[%arg1, %dma_start3A_40] : memref<16x2048xi32, #tpu.memory_space<hbm>> -> memref<1x2048xi32, #tpu.memory_space<hbm>>
      %dma_start3A_42 = tpu.memref_squeeze %dma_start3A_41 : memref<1x2048xi32, #tpu.memory_space<hbm>> -> memref<2048xi32, #tpu.memory_space<hbm>>
      %dma_start3A_43 = arith.constant 0 : i32
      %dma_start3A_44 = tpu.memref_slice %arg3[%arg1, %dma_start3A_43] : memref<16x2048xi32, #tpu.memory_space<hbm>> -> memref<1x2048xi32, #tpu.memory_space<hbm>>
      %dma_start3A_45 = tpu.memref_squeeze %dma_start3A_44 : memref<1x2048xi32, #tpu.memory_space<hbm>> -> memref<2048xi32, #tpu.memory_space<hbm>>
      tpu.enqueue_dma source(%arg6 : memref<2048xi32, #tpu.memory_space<vmem>>) target(%dma_start3A_45 : memref<2048xi32, #tpu.memory_space<hbm>>) target_semaphore(%run_scoped3A : memref<!tpu.dma_semaphore, #tpu.memory_space<semaphore_mem>>)
      %dma_wait3A_46 = arith.constant 0 : i32
      %dma_wait3A_47 = tpu.memref_slice %arg3[%arg1, %dma_wait3A_46] : memref<16x2048xi32, #tpu.memory_space<hbm>> -> memref<1x2048xi32, #tpu.memory_space<hbm>>
      %dma_wait3A_48 = tpu.memref_squeeze %dma_wait3A_47 : memref<1x2048xi32, #tpu.memory_space<hbm>> -> memref<2048xi32, #tpu.memory_space<hbm>>
      %dma_wait3A_49 = arith.constant 0 : i32
      %dma_wait3A_50 = tpu.memref_slice %arg3[%arg1, %dma_wait3A_49] : memref<16x2048xi32, #tpu.memory_space<hbm>> -> memref<1x2048xi32, #tpu.memory_space<hbm>>
      %dma_wait3A_51 = tpu.memref_squeeze %dma_wait3A_50 : memref<1x2048xi32, #tpu.memory_space<hbm>> -> memref<2048xi32, #tpu.memory_space<hbm>>
      tpu.wait_dma2 semaphore(%run_scoped3A : memref<!tpu.dma_semaphore, #tpu.memory_space<semaphore_mem>>) src(%arg6 : memref<2048xi32, #tpu.memory_space<vmem>>) dst(%dma_wait3A_51 : memref<2048xi32, #tpu.memory_space<hbm>>)
      tpu.yield
    }) : () -> ()
    return
  }
}

</mosaic_0001>

<sc_bundles>
// kernel: kernel.3.cloned.1.call-start
scs
__scs_entry_jumppad:
0x0: {  	(pc) =	sbr.rel $0x88, $3  }
0x1: {  	(tag) =	ssettag $0x0;
	lr =	simm.s32 $0x1  }
0x2: {  	[smem:$0x3F9E] =	sst lr;
	_ =	strace $0xD0000000  }
0x3: {  	_ = 	snop  }
0x4: {  	_ = 	snop  }
0x5: {  	_ = 	snop  }
0x6: {  	_ = 	snop  }
0x7: {  	_ = 	snop  }
__scs_overlays_trampoline_lowered:
0x8: {  	[smem:$0x3FAD] =	sst s0  }
0x9: {  	[smem:$0x3FAE] =	sst s1  }
0xa: {  	[smem:$0x3FAF] =	sst s2  }
0xb: {  	[smem:$0x3FB0] =	sst s3  }
0xc: {  	[smem:$0x3FB1] =	sst s4  }
0xd: {  	[smem:$0x3FB2] =	sst s5  }
0xe: {  	[smem:$0x3FB3] =	sst s6  }
0xf: {  	[smem:$0x3FB4] =	sst s7  }
0x10: {  	[smem:$0x3FB5] =	sst s8  }
0x11: {  	[smem:$0x3FB6] =	sst s9;
	s0 =	simm.s32 @!p0 $0x0  }
0x12: {  	s1 =	sld [smem:$0x3F9C];
	s0 =	simm.s32 @p0 $0x1  }
0x13: {  	[smem:$0x3FB7] =	sst s0;
	s0 =	simm.s32 @!p1 $0x0  }
0x14: {  	s2 =	sld [smem:$0x3F9B];
	s0 =	simm.s32 @p1 $0x1  }
0x15: {  	[smem:$0x3FB8] =	sst s0;
	s0 =	simm.s32 @!p2 $0x0  }
0x16: {  	s3 =	sld [smem:$0x3FDB];
	s0 =	simm.s32 @p2 $0x1  }
0x17: {  	s4 =	simm.s32 $0x1BF5;
	[smem:$0x3FBA] =	sst s0  }
0x18: {  	s0 =	sld [smem:$0x3F9D];
	_ =	swait.ge [sflag:s4], $0x0  }
0x19: {  	s7 =	sld [smem:$0x3F9E]  }
0x1a: {  	s8 =	sadd.s32 $0xFFFFE003, lr  }
0x1b: {  	s9 =	sadd.s32 $0xFFFFFEF7, lr;
	s5 =	simm.s32 $0xFFFFFFFF;
	p2 =	slt.u32 s8, $0xFFFFF086  }
0x1c: {  	p1 =	slt.u32 s9, $0xF7A;
	s5 =	simm.s32 @!p2 $0x0  }
0x1d: {  	s5 =	simm.s32 @p1 $0x1;
	p0 =	seq.s32 s7, s2  }
0x1e: {  	s7 =	smul.u32 @!p0 $0xF7A, s2;
	p2 =	seq.s32 @!p0 s5, $0x0  }
0x1f: {  	s9 =	smul.u32 $0xF7A, s1;
	s8 =	simm.s32 @!p0 $0x1BF5;
	p2 =	por !p2, p0  }
0x20: {  	[sflag:s8] =	ssyncset.s32 @!p0 $0xFFFFF086;
	s6 =	sadd.s32 @!p0 s3, s7;
	s7 =	simm.s32 @!p0 $0x108  }
0x21: {  	s3 =	sadd.s32 s3, s9;
	s6 =	sadd.s32 @!p0 $0x88, s6;
	s7 =	simm.s32 @p2 $0x1082  }
0x22: {  	[simem:s7], [sflag:s8] =	dma.local @!p0 [hbm:s6], $0xF7A  }
0x23: {  	s9 =	sor.u32 $0xD0000000, s2;
	s6 =	simm.s32 $0x108;
	_ =	swait.ge @!p0 [sflag:s8], $0x0  }
0x24: {  	s3 =	sadd.s32 $0x88, s3;
	s6 =	simm.s32 @!p1 $0x1082;
	[sflag:s4] =	ssyncset.s32 $0xFFFFF086  }
0x25: {  	[simem:s6], [sflag:s4] =	dma.local [hbm:s3], $0xF7A  }
0x26: {  	[smem:$0x3F9E] =	sst s1;
	(tag) =	ssettag s2;
	_ =	strace s9  }
0x27: {  	s1 =	sld [smem:$0x3FAE]  }
0x28: {  	s2 =	sld [smem:$0x3FAF]  }
0x29: {  	s4 =	sld [smem:$0x3FB1]  }
0x2a: {  	p0 =	seq.s32 s5, $0x0;
	s5 =	sld [smem:$0x3FB2]  }
0x2b: {  	s6 =	sld [smem:$0x3FB3]  }
0x2c: {  	s7 =	sld [smem:$0x3FB4]  }
0x2d: {  	s3 =	simm.s32 $0x108;
	s8 =	sld [smem:$0x3FB5]  }
0x2e: {  	s3 =	simm.s32 @!p0 $0x1082;
	s9 =	sld [smem:$0x3FB6]  }
0x2f: {  	lr =	sadd.s32 s0, s3;
	s0 =	sld [smem:$0x3FAD]  }
0x30: {  	s3 =	sld [smem:$0x3FB0]  }
0x31: {  	[smem:$0x3FB9] =	sst s10  }
0x32: {  	s10 =	sld [smem:$0x3FB7];
	_ =	sdelay $0x3  }
0x33: {  	p0 =	seq.s32 s10, $0x1;
	s10 =	sld [smem:$0x3FB9];
	_ =	sdelay $0x3  }
0x34: {  	[smem:$0x3FB9] =	sst s10  }
0x35: {  	s10 =	sld [smem:$0x3FB8];
	_ =	sdelay $0x3  }
0x36: {  	p1 =	seq.s32 s10, $0x1;
	s10 =	sld [smem:$0x3FB9];
	_ =	sdelay $0x3  }
0x37: {  	[smem:$0x3FB9] =	sst s10  }
0x38: {  	s10 =	sld [smem:$0x3FBA]  }
0x39: {  	_ = 	snop;
	(pc) =	sbr.ind lr, $3  }
0x3a: {  	_ = 	snop  }
0x3b: {  	_ = 	snop  }
0x3c: {  	p2 =	seq.s32 s10, $0x1;
	s10 =	sld [smem:$0x3FB9]  }
0x3d: {  	_ =	shalt  }
0x3e: {  	_ =	shalt  }
0x3f: {  	_ =	shalt  }
0x40: {  	_ =	shalt  }
0x41: {  	_ =	shalt  }
0x42: {  	_ =	shalt  }
0x43: {  	_ =	shalt  }
0x44: {  	_ =	shalt  }
0x45: {  	_ =	shalt  }
0x46: {  	_ =	shalt  }
0x47: {  	_ =	shalt  }
0x48: {  	_ =	shalt  }
0x49: {  	_ =	shalt  }
0x4a: {  	_ =	shalt  }
0x4b: {  	_ =	shalt  }
0x4c: {  	_ =	shalt  }
0x4d: {  	_ =	shalt  }
0x4e: {  	_ =	shalt  }
0x4f: {  	_ =	shalt  }
0x50: {  	_ =	shalt  }
0x51: {  	_ =	shalt  }
0x52: {  	_ =	shalt  }
0x53: {  	_ =	shalt  }
0x54: {  	_ =	shalt  }
0x55: {  	_ =	shalt  }
0x56: {  	_ =	shalt  }
0x57: {  	_ =	shalt  }
0x58: {  	_ =	shalt  }
0x59: {  	_ =	shalt  }
0x5a: {  	_ =	shalt  }
0x5b: {  	_ =	shalt  }
0x5c: {  	_ =	shalt  }
0x5d: {  	_ =	shalt  }
0x5e: {  	_ =	shalt  }
0x5f: {  	_ =	shalt  }
0x60: {  	_ =	shalt  }
0x61: {  	_ =	shalt  }
0x62: {  	_ =	shalt  }
0x63: {  	_ =	shalt  }
0x64: {  	_ =	shalt  }
0x65: {  	_ =	shalt  }
0x66: {  	_ =	shalt  }
0x67: {  	_ =	shalt  }
0x68: {  	_ =	shalt  }
0x69: {  	_ =	shalt  }
0x6a: {  	_ =	shalt  }
0x6b: {  	_ =	shalt  }
0x6c: {  	_ =	shalt  }
0x6d: {  	_ =	shalt  }
0x6e: {  	_ =	shalt  }
0x6f: {  	_ =	shalt  }
0x70: {  	_ =	shalt  }
0x71: {  	_ =	shalt  }
0x72: {  	_ =	shalt  }
0x73: {  	_ =	shalt  }
0x74: {  	_ =	shalt  }
0x75: {  	_ =	shalt  }
0x76: {  	_ =	shalt  }
0x77: {  	_ =	shalt  }
0x78: {  	_ =	shalt  }
0x79: {  	_ =	shalt  }
0x7a: {  	_ =	shalt  }
0x7b: {  	_ =	shalt  }
0x7c: {  	_ =	shalt  }
0x7d: {  	_ =	shalt  }
0x7e: {  	_ =	shalt  }
0x7f: {  	_ =	shalt  }
0x80: {  	_ =	shalt  }
0x81: {  	_ =	shalt  }
0x82: {  	_ =	shalt  }
0x83: {  	_ =	shalt  }
0x84: {  	_ =	shalt  }
0x85: {  	_ =	shalt  }
0x86: {  	_ =	shalt  }
0x87: {  	_ =	shalt  }
.Lfunc_end0:
.L_simem_size_0:
called_computation_lowered:
.L_overlay_start_0:
0x88: {  	s0 =	sld [smem:$0x3FD9]  }
0x89: {  	s1 =	sld [smem:$0x3FFE];
	_ =	sdelay $0x3  }
0x8a: {  	s0 =	sadd.s32 s1, s0  }
0x8b: {  	[smem:$0x3FC5] =	sst s0  }
0x8c: {  	_ = 	snop  }
0x8d: {  	s0 =	sld [smem:$0x3FD0];
	(tm) =	ssettm $0x1  }
0x8e: {  	s16 =	sld [smem:$0x3FFB];
	_ =	sdelay $0x3  }
0x8f: {  	_ =	strace s16  }
0x90: {  	s1 =	sld [smem:$0x3FFC];
	_ =	sdelay $0x3  }
0x91: {  	_ =	strace s1  }
0x92: {  	s1 =	sld [smem:$0x3FFD];
	_ =	sdelay $0x3  }
0x93: {  	_ =	strace s1  }
0x94: {  	_ =	strace $0x8FFFFFFF  }
0x95: {  	s17 =	sld [smem:$0x3FDB];
	_ =	sdelay $0x1  }
0x96: {  	s2 =	simm.s32 $_scs_section_size  }
0x97: {  	s3 =	simm.s32 $_size__tile_overlayer_lowered;
	s4 =	simm.s32 $_tile_overlayer_lowered  }
0x98: {  	s20 =	simm.s32 $0x1BFF;
	s19 =	sshll.u32 s4, $0x1;
	s1 =	sadd.s32 s2, s17  }
0x99: {  	s5 =	simm.s32 $0x0;
	s18 =	sshll.u32 s3, $0x1;
	s3 =	sadd.s32 s19, s1  }
0x9a: {  	[timem:s5], [sflag:s20] =	dma.local [hbm:s3], s18  }
0x9b: {  	_ =	swait.ge [sflag:s20], s18  }
0x9c: {  	s2 =	ssub.s32 $0x0, s18;
	[sflag:s20] =	ssyncset.done $0x0  }
0x9d: {  	[sflag:s20] =	ssyncadd.s32 s2;
	_ =	sdelay $0x1  }
0x9e: {  	s21 =	simm.s32 $0x1B8B  }
0x9f: {  	_ =	swait.ge [sflag:s21], $0x1  }
0xa0: {  	[sflag:s21] =	ssyncset.done $0x0  }
0xa1: {  	s23 =	simm.s32 $0x1B8E;
	s22 =	sld [smem:$0x3FFE];
	[sflag:s21] =	ssyncadd.s32 $0xFFFFFFFF  }
0xa2: {  	s24 =	simm.s32 $execute0_lowered;
	[smem:$0x3FD2] =	sst s23  }
0xa3: {  	s3 =	sshll.u32 s24, $0x1;
	_ =	strace $0x80000046;
	[dreg:$0x1] =	wrdreg $0xFFFFFFFF  }
0xa4: {  	s25 =	simm.s32 $_size_execute0_lowered;
	s1 =	sadd.s32 s1, s3;
	[dreg:$0x0] =	wrdreg $0x0  }
0xa5: {  	s3 =	sshll.u32 s25, $0x1;
	[dreg:$0x2] =	wrdreg s1  }
0xa6: {  	[dreg:$0x3] =	wrdreg s3  }
0xa7: {  	[dreg:$0x4] =	wrdreg $0xC0  }
0xa8: {  	_ =	task [dreg:s5], $0x5FFFF  }
0xa9: {  	[dreg:$0x1] =	wrdreg $0xFFFFFFFF  }
0xaa: {  	[dreg:$0x0] =	wrdreg $0x60  }
0xab: {  	[dreg:$0x2] =	wrdreg s0  }
0xac: {  	[dreg:$0x3] =	wrdreg s22  }
0xad: {  	[dreg:$0x4] =	wrdreg $0x9  }
0xae: {  	_ =	task.clear_ibuf [dreg:s5], $0x5FFFF;
	_ =	strace $0x90000046  }
0xaf: {  	s26 =	simm.s32 $0x9;
	_ =	strace $0x80000048  }
0xb0: {  	_ =	swait.ge [sflag:s26], $0x1  }
0xb1: {  	[sflag:s26] =	ssyncadd.s32 $0xFFFFFFFF  }
0xb2: {  	_ =	strace $0x90000048  }
0xb3: {  	_ =	sfence  }
0xb4: {  	s28 =	sld [smem:$0x0];
	_ =	sdelay $0x1  }
0xb5: {  	s29 =	srdreg.scid  }
0xb6: {  	s30 =	sshll.u32 s29, $0xD;
	s31 =	sshrl.u32 s29, $0x2  }
0xb7: {  	s2 =	sand.u32 $0x4000, s30;
	s1 =	sand.u32 $0x1, s29;
	s0 =	sadd.s32 s31, s28  }
0xb8: {  	s1 =	sor.u32 s2, s1;
	s0 =	sshll.u32 s0, $0x11  }
0xb9: {  	s0 =	sor.u32 s0, s1  }
0xba: {  	s0 =	sadd.s32 $0x8F2B, s0  }
0xbb: {  	[sflag:s0] =	ssyncadd.remote.s32 $0x1  }
0xbc: {  	_ =	sfence.sel $0xFFFF  }
0xbd: {  	[dreg:$0x0] =	wrdreg $0xFFFFFFFF;
	(pc) =	sbr.abs _section_cstart, $3  }
0xbe: {  	[dreg:$0x1] =	wrdreg $0xFFFFFFFF  }
0xbf: {  	_ =	task.clear_ibuf [dreg:s5], $0x2FFFF;
	_ =	strace $0x9FFFFFFF  }
0xc0: {  	(tm) =	ssettm $0x7FFFFFFF  }
0xc1: {  	_ =	shalt  }
tec
execute0_lowered:
.L_overlay_start_1:
0x0: {  	(tag) =	ssettag $0x1  }
0x1: {  	s3 =	rddreg [dreg:$0x0]  }
0x2: {  	s4 =	rddreg [dreg:$0x1];
	s5 =	simm.s32 $0x0;
	s1 =	stileid.u32  }
0x3: {  	[smem:$0x7FF] =	sst s5;
	s2 =	sshll.u32 s1, $0x8  }
0x4: {  	s0 =	rddreg [dreg:$0x2];
	_ =	strace $0x80000047;
	s6 =	sadd.s32 s3, s2  }
0x5: {  	[tilespmem:s5], [sflag:$0x1] =	stream.linear.gather [hbm4b:s6+s5], $0x800, $0x38;
	[tilespmem:$0x1880] =	vst v63  }
0x6: {  	s26 =	simm.s32 $0x800;
	s28 =	simm.s32 $0x1;
	s3 =	sadd.s32 $0x1000, s3  }
0x7: {  	[tilespmem:s26], [sflag:$0x1] =	stream.linear.gather [hbm4b:s3+s5], $0x810, $0x38;
	[tilespmem:$0x1880] =	vst v63  }
0x8: {  	_ =	swait.ge [sflag:s28], $0x800  }
0x9: {  	[sflag:s28] =	ssyncset.done $0x0  }
0xa: {  	[sflag:s28] =	ssyncadd.s32 $0xFFFFF800  }
0xb: {  	_ =	swait.ge [sflag:s28], $0x810  }
0xc: {  	[sflag:s28] =	ssyncset.done $0x0  }
0xd: {  	[sflag:s28] =	ssyncadd.s32 $0xFFFFF7F0  }
0xe: {  	s29 =	simm.s32 $0x20;
	v0 =	vld [tilespmem:$0x1000]  }
0xf: {  	v2 =	vld [tilespmem:s29+$0x10]  }
0x10: {  	v3 =	vld [tilespmem:s29+$0x0]  }
0x11: {  	s30 =	simm.s32 $0x820;
	v4 =	vld [tilespmem:s29+$0xFFFFFFF0]  }
0x12: {  	v5 =	vld [tilespmem:s30+$0x10]  }
0x13: {  	v6 =	vld [tilespmem:s30+$0x0]  }
0x14: {  	v7 =	vld [tilespmem:s30+$0xFFFFFFF0]  }
0x15: {  	v1 =	vimm.s32 $0xF;
	v10 =	vld [tilespmem:s29+$0xFFFFFFE0];
	v8 =	vand.u32 $0xFFFF, v0;
	v9 =	vshrl.u32 v0, $0x10  }
0x16: {  	s31 =	simm.s32 $0x60;
	v11 =	vld [tilespmem:s30+$0xFFFFFFE0];
	v0 =	vimm.s32 $0x0;
	vm0 =	vne.s32 v4, $0x0;
	vm1 =	vne.s32 v3, $0x0  }
0x17: {  	s3 =	simm.s32 $0x860;
	v59 =	vld [tilespmem:s31+$0xFFFFFFE0];
	v12 =	vand.u32 $0xFFFF, v2;
	v13 =	vshrl.u32 v2, $0x10;
	v14 =	vand.u32 $0xFFFF, v5  }
0x18: {  	v63 =	vld [tilespmem:s3+$0xFFFFFFF0];
	v15 =	vand.u32 $0xFFFF, v3;
	v3 =	vshrl.u32 v3, $0x10;
	v5 =	vshrl.u32 v5, $0x10  }
0x19: {  	v16 =	vand.u32 $0xFFFF, v4;
	v17 =	vand.u32 $0xFFFF, v6;
	v6 =	vshrl.u32 v6, $0x10  }
0x1a: {  	v4 =	vshrl.u32 v4, $0x10;
	v18 =	vand.u32 $0xFFFF, v7;
	v7 =	vshrl.u32 v7, $0x10  }
0x1b: {  	v19 =	vand.u32 $0xFFFF, v10;
	v20 =	vshrl.u32 v10, $0x10;
	v21 =	vand.u32 $0xFFFF, v11  }
0x1c: {  	v11 =	vshrl.u32 v11, $0x10;
	vm2 =	vne.s32 v10, $0x0;
	vm12 =	vne.s32 v2, $0x0  }
0x1d: {  	v32 =	vand.u32 $0xFFFF, v59;
	v33 =	vshrl.u32 v59, $0x10;
	v38 =	vand.u32 $0xFFFF, v63  }
0x1e: {  	vm3 =	vne.s32 v59, $0x0;
	v22 =	vmul.u32 v12, v14;
	v23 =	vmul.u32 v13, v5  }
0x1f: {  	v24 =	vmul.u32 v3, v6;
	v13 =	vmul.u32 v13, v14;
	v5 =	vmul.u32 v12, v5  }
0x20: {  	v12 =	vmul.u32 v20, v21;
	v14 =	vmul.u32 v19, v11;
	v25 =	vmul.u32 v15, v17  }
0x21: {  	v19 =	vmul.u32 v19, v21;
	v47 =	vmul.u32 v16, v18;
	v26 =	vmul.u32 v4, v7  }
0x22: {  	v11 =	vmul.u32 v20, v11;
	v4 =	vmul.u32 v4, v18;
	v7 =	vmul.u32 v16, v7  }
0x23: {  	v3 =	vmul.u32 v3, v17;
	v6 =	vmul.u32 v15, v6;
	v12 =	vadd.s32 v14, v12  }
0x24: {  	v50 =	vsel vm0, $0x1, v0;
	v14 =	vand.u32 $0xFFFF, v19;
	v48 =	vshrl.u32 v12, $0x10  }
0x25: {  	v49 =	vshrl.u32 v19, $0x10;
	v12 =	vand.u32 $0xFFFF, v12;
	(xrf0) =	vadd.scan.msk.s32 $0xffff, v14;
	v11 =	vadd.s32 v11, v48  }
0x26: {  	v20 =	vshrl.u32 v63, $0x10;
	v4 =	vadd.s32 v7, v4;
	v12 =	vadd.s32 v49, v12;
	(xrf0) =	vadd.scan.msk.s32 $0xffff, v11  }
0x27: {  	v7 =	vand.u32 $0xFFFF, v47;
	v3 =	vadd.s32 v6, v3;
	v11 =	vshrl.u32 v4, $0x10;
	(xrf0) =	vadd.scan.msk.s32 $0xffff, v12  }
0x28: {  	v4 =	vand.u32 $0xFFFF, v4;
	v12 =	vshrl.u32 v47, $0x10;
	v11 =	vadd.s32 v26, v11;
	(xrf0) =	vadd.scan.msk.s32 $0xffff, v7  }
0x29: {  	v4 =	vadd.s32 v12, v4;
	v7 =	vand.u32 $0xFFFF, v25;
	(xrf0) =	vadd.scan.msk.s32 $0xffff, v11;
	v11 =	vshrl.u32 v3, $0x10  }
0x2a: {  	v3 =	vand.u32 $0xFFFF, v3;
	(xrf0) =	vadd.scan.msk.s32 $0xffff, v4;
	v4 =	vshrl.u32 v25, $0x10;
	v11 =	vadd.s32 v24, v11  }
0x2b: {  	v6 =	vand.u32 $0xFFFF, v22;
	v5 =	vadd.s32 v5, v13;
	v12, _, _ =	vpop (xrf0);
	(xrf0) =	vadd.scan.msk.s32 $0xffff, v7;
	v3 =	vadd.s32 v4, v3  }
0x2c: {  	v7 =	vshrl.u32 v5, $0x10;
	v8 =	vadd.s32 v8, v12;
	v5 =	vand.u32 $0xFFFF, v5;
	v13, _, _ =	vpop (xrf0);
	(xrf0) =	vadd.scan.msk.s32 $0xffff, v11  }
0x2d: {  	v4 =	vshrl.u32 v22, $0x10;
	v7 =	vadd.s32 v23, v7;
	v11, _, _ =	vpop (xrf0);
	(xrf0) =	vadd.scan.msk.s32 $0xffff, v3;
	v3 =	vperm.xlane v8, v1  }
0x2e: {  	v4 =	vadd.s32 v4, v5;
	v9 =	vadd.s32 v9, v11;
	v11 =	vadd.s32 v0, v13;
	v12, _, _ =	vpop (xrf0);
	(xrf0) =	vadd.scan.msk.s32 $0xffff, v6  }
0x2f: {  	v6 =	vperm.xlane v9, v1;
	v13 =	vperm.xlane v11, v1;
	v5, _, _ =	vpop (xrf0);
	(xrf0) =	vadd.scan.msk.s32 $0xffff, v7;
	v7 =	vadd.s32 v3, v12  }
0x30: {  	v3 =	vsel vm1, $0x1, v0;
	v12 =	vsel vm2, $0x1, v0;
	v57 =	vshrl.u32 v9, $0xF  }
0x31: {  	v11 =	vshll.u32 v11, $0x1;
	v9 =	vshll.u32 v9, $0x10;
	v10, _, _ =	vpop (xrf0);
	(xrf0) =	vadd.scan.msk.s32 $0xffff, v4;
	v4 =	vperm.xlane v7, v1  }
0x32: {  	v12 =	vadd.s32 v12, v0;
	v8 =	vadd.s32 v8, v57;
	v9 =	vand.u32 $0x7FFF0000, v9  }
0x33: {  	v6 =	vadd.s32 v6, v10;
	v10 =	vadd.s32 v13, v5;
	v12 =	vadd.s32 v50, v12  }
0x34: {  	v5, _, _ =	vpop (xrf0);
	v8 =	vadd.s32 v11, v8;
	v13 =	vperm.xlane v6, v1;
	v14 =	vperm.xlane v10, v1  }
0x35: {  	v51 =	vadd.s32 v4, v5;
	v2 =	vadd.s32 v3, v12;
	v54 =	vshrl.u32 v6, $0xF  }
0x36: {  	v15, _, _ =	vpop (xrf0);
	v10 =	vshll.u32 v10, $0x1;
	v6 =	vshll.u32 v6, $0x10;
	v8 =	vadd.s32 v9, v8  }
0x37: {  	v7 =	vadd.s32 v7, v54;
	v6 =	vand.u32 $0x7FFF0000, v6;
	v4, _, _ =	vpop (xrf0);
	v14 =	vadd.s32 v14, v15  }
0x38: {  	v7 =	vadd.s32 v10, v7;
	v13 =	vadd.s32 v13, v4;
	v4 =	vperm.xlane v51, v1  }
0x39: {  	v52 =	vperm.xlane v14, v1;
	v14 =	vshll.u32 v14, $0x1;
	v6 =	vadd.s32 v6, v7  }
0x3a: {  	v5, _, _ =	vpop (xrf0);
	v15 =	vperm.xlane v13, v1;
	v55 =	vshrl.u32 v13, $0xF;
	v13 =	vshll.u32 v13, $0x10  }
0x3b: {  	v53, _, _ =	vpop (xrf0);
	v11 =	vshrl.u32 v6, $0x1F;
	v6 =	vand.u32 $0x7FFFFFFF, v6;
	v12 =	vadd.s32 v4, v5  }
0x3c: {  	v3, _, _ =	vpop (xrf0);
	v4 =	vsel vm12, $0x1, v0;
	v16 =	vadd.s32 v52, v53;
	v17 =	vadd.s32 v51, v55  }
0x3d: {  	v10 =	vand.u32 $0x7FFF0000, v13;
	v6 =	vadd.s32 v6, v11;
	v15 =	vadd.s32 v15, v3  }
0x3e: {  	v5 =	vperm.xlane v12, v1;
	v2 =	vadd.s32 v4, v2;
	v4 =	vperm.xlane v16, v1  }
0x3f: {  	v16 =	vshll.u32 v16, $0x1;
	v13 =	vadd.s32 v14, v17;
	v58 =	vadd.s32 $0x80000001, v6  }
0x40: {  	v11 =	vld [tilespmem:s31+$0x0];
	v3 =	vperm.xlane v15, v1;
	v56 =	vshrl.u32 v15, $0xF;
	v15 =	vshll.u32 v15, $0x10  }
0x41: {  	v10 =	vadd.s32 v10, v13;
	v13 =	vshrl.u32 v8, $0x1F;
	v8 =	vand.u32 $0x7FFFFFFF, v8  }
0x42: {  	v6 =	vmin.u32 v6, v58;
	v12 =	vadd.s32 v12, v56;
	v15 =	vand.u32 $0x7FFF0000, v15  }
0x43: {  	v8 =	vadd.s32 v8, v13;
	v12 =	vadd.s32 v16, v12;
	v16 =	vsel vm3, $0x1, v0  }
0x44: {  	v7 =	vadd.s32 v15, v12;
	v12 =	vshrl.u32 v10, $0x1F;
	v10 =	vand.u32 $0x7FFFFFFF, v10  }
0x45: {  	v13 =	vld [tilespmem:s31+$0xFFFFFFF0];
	v15 =	vadd.s32 $0x80000001, v8;
	vm14 =	vne.s32 v11, $0x0;
	v62 =	vand.u32 $0xFFFF, v11  }
0x46: {  	v11 =	vshrl.u32 v11, $0x10;
	v2 =	vadd.s32 v16, v2;
	v9 =	vshrl.u32 v7, $0x1F  }
0x47: {  	v7 =	vand.u32 $0x7FFFFFFF, v7;
	v10 =	vadd.s32 v10, v12;
	v8 =	vmin.u32 v8, v15  }
0x48: {  	v15 =	vand.u32 $0xFFFF, v6;
	v7 =	vadd.s32 v7, v9;
	v9 =	vadd.s32 $0x80000001, v10  }
0x49: {  	v14 =	vld [tilespmem:s31+$0x10];
	v8 =	vand.u32 $0xFFFF, v8;
	v12 =	vadd.s32 $0x80000001, v7;
	v9 =	vmin.u32 v10, v9  }
0x4a: {  	vm13 =	vne.s32 v13, $0x0;
	v30 =	vand.u32 $0xFFFF, v13;
	v7 =	vmin.u32 v7, v12  }
0x4b: {  	v13 =	vshrl.u32 v13, $0x10;
	v6 =	vand.u32 $0xFFFF, v9;
	v9 =	vand.u32 $0xFFFF, v7  }
0x4c: {  	v7 =	vadd.s32 $0x1, v6;
	v6 =	vadd.s32 $0x1, v8;
	v8 =	vadd.s32 $0x1, v15;
	v15 =	vld [tilespmem:s3+$0xFFFFFFE0]  }
0x4d: {  	v10 =	vld [tilespmem:s3+$0x0];
	v40 =	vmul.u32 v13, v20;
	v13 =	vmul.u32 v13, v38;
	v20 =	vmul.u32 v30, v20  }
0x4e: {  	vm15 =	vne.s32 v14, $0x0;
	v60 =	vand.u32 $0xFFFF, v14;
	v39 =	vmul.u32 v30, v38  }
0x4f: {  	v14 =	vshrl.u32 v14, $0x10;
	v12 =	vld [tilespmem:s3+$0x10];
	v54 =	vsel vm13, $0x1, v0;
	v13 =	vadd.s32 v20, v13  }
0x50: {  	v2 =	vadd.s32 v54, v2;
	v45 =	vshrl.u32 v39, $0x10;
	v20 =	vshrl.u32 v13, $0x10  }
0x51: {  	v13 =	vand.u32 $0xFFFF, v13;
	v34 =	vand.u32 $0xFFFF, v15;
	v15 =	vshrl.u32 v15, $0x10  }
0x52: {  	v31 =	vand.u32 $0xFFFF, v10;
	v36 =	vmul.u32 v33, v34;
	v37 =	vmul.u32 v32, v15  }
0x53: {  	v10 =	vshrl.u32 v10, $0x10;
	v46 =	vadd.s32 v40, v20;
	v23 =	vmul.u32 v32, v34  }
0x54: {  	v61 =	vand.u32 $0xFFFF, v12;
	v15 =	vmul.u32 v33, v15;
	v17 =	vadd.s32 v37, v36  }
0x55: {  	v12 =	vshrl.u32 v12, $0x10;
	v43 =	vand.u32 $0xFFFF, v23;
	v41 =	vshrl.u32 v17, $0x10  }
0x56: {  	v23 =	vshrl.u32 v23, $0x10;
	(xrf0) =	vadd.scan.msk.s32 $0xffff, v43;
	v17 =	vand.u32 $0xFFFF, v17;
	v15 =	vadd.s32 v15, v41  }
0x57: {  	v42 =	vmul.u32 v11, v10;
	v44 =	vmul.u32 v62, v31;
	v17 =	vadd.s32 v23, v17;
	(xrf0) =	vadd.scan.msk.s32 $0xffff, v15  }
0x58: {  	v11 =	vmul.u32 v11, v31;
	v10 =	vmul.u32 v62, v10;
	v15 =	vand.u32 $0xFFFF, v39;
	(xrf0) =	vadd.scan.msk.s32 $0xffff, v17  }
0x59: {  	v27 =	vmul.u32 v14, v12;
	v14 =	vmul.u32 v14, v61;
	v12 =	vmul.u32 v60, v12;
	(xrf0) =	vadd.scan.msk.s32 $0xffff, v15  }
0x5a: {  	v13 =	vadd.s32 v45, v13;
	v35 =	vmul.u32 v60, v61;
	v10 =	vadd.s32 v10, v11;
	(xrf0) =	vadd.scan.msk.s32 $0xffff, v46  }
0x5b: {  	v47 =	vshrl.u32 v10, $0x10;
	v12 =	vadd.s32 v12, v14;
	v15 =	vand.u32 $0xFFFF, v44;
	(xrf0) =	vadd.scan.msk.s32 $0xffff, v13  }
0x5c: {  	v10 =	vand.u32 $0xFFFF, v10;
	v13 =	vshrl.u32 v44, $0x10;
	v48, _, _ =	vpop (xrf0);
	(xrf0) =	vadd.scan.msk.s32 $0xffff, v15;
	v15 =	vshrl.u32 v12, $0x10  }
0x5d: {  	v9 =	vadd.s32 $0x1, v9;
	v14 =	vadd.s32 v42, v47;
	v10 =	vadd.s32 v13, v10  }
0x5e: {  	v13 =	vshrl.u32 v35, $0x10;
	v49, _, _ =	vpop (xrf0);
	(xrf0) =	vadd.scan.msk.s32 $0xffff, v14;
	v14 =	vadd.s32 v5, v48;
	v5 =	vand.u32 $0xFFFF, v12  }
0x5f: {  	v11 =	vand.u32 $0xFFFF, v35;
	v12 =	vadd.s32 v27, v15;
	v5 =	vadd.s32 v13, v5;
	v15, _, _ =	vpop (xrf0)  }
0x60: {  	(xrf0) =	vadd.scan.msk.s32 $0xffff, v10;
	v10 =	vadd.s32 v3, v15;
	v15 =	vadd.s32 v4, v49;
	v3 =	vperm.xlane v14, v1  }
0x61: {  	v4, _, _ =	vpop (xrf0);
	(xrf0) =	vadd.scan.msk.s32 $0xffff, v11;
	v11 =	vperm.xlane v10, v1;
	v50 =	vperm.xlane v15, v1;
	v62 =	vshrl.u32 v10, $0xF  }
0x62: {  	v13, _, _ =	vpop (xrf0);
	(xrf0) =	vadd.scan.msk.s32 $0xffff, v12;
	v15 =	vshll.u32 v15, $0x1;
	v10 =	vshll.u32 v10, $0x10;
	v12 =	vadd.s32 v3, v4  }
0x63: {  	v3 =	vsel vm14, $0x1, v0;
	v4, _, _ =	vpop (xrf0);
	v14 =	vadd.s32 v14, v62;
	v10 =	vand.u32 $0x7FFF0000, v10  }
0x64: {  	v11 =	vadd.s32 v11, v4;
	v13 =	vadd.s32 v50, v13;
	v4 =	vperm.xlane v12, v1  }
0x65: {  	v2 =	vadd.s32 v3, v2;
	v3 =	vsel vm15, $0x1, v0;
	v14 =	vadd.s32 v15, v14  }
0x66: {  	(xrf0) =	vadd.scan.msk.s32 $0xffff, v5;
	v5, _, _ =	vpop (xrf0);
	v51 =	vperm.xlane v11, v1;
	v52 =	vperm.xlane v13, v1;
	v2 =	vadd.s32 v3, v2  }
0x67: {  	v53, _, _ =	vpop (xrf0);
	v59 =	vshrl.u32 v11, $0xF;
	v13 =	vshll.u32 v13, $0x1;
	v11 =	vshll.u32 v11, $0x10  }
0x68: {  	v55 =	vadd.s32 v4, v5;
	v12 =	vadd.s32 v12, v59;
	v18 =	vadd.s32 v52, v53  }
0x69: {  	v11 =	vand.u32 $0x7FFF0000, v11;
	v12 =	vadd.s32 v13, v12;
	v4, _, _ =	vpop (xrf0);
	v19 =	vperm.xlane v18, v1  }
0x6a: {  	v15 =	vadd.s32 v11, v12;
	v17 =	vadd.s32 v51, v4;
	v4 =	vperm.xlane v55, v1  }
0x6b: {  	s5 =	simm.s32 $0x10A0;
	v18 =	vshll.u32 v18, $0x1;
	v12 =	vadd.s32 v10, v14;
	v10 =	vshrl.u32 v15, $0x1F  }
0x6c: {  	[tilespmem:s5+$0xFFFFFFE0] =	vst v6;
	v5, _, _ =	vpop (xrf0);
	v6 =	vshrl.u32 v12, $0x1F;
	v12 =	vand.u32 $0x7FFFFFFF, v12;
	v56 =	vperm.xlane v17, v1  }
0x6d: {  	v57, _, _ =	vpop (xrf0);
	v60 =	vshrl.u32 v17, $0xF;
	v17 =	vshll.u32 v17, $0x10;
	v58 =	vadd.s32 v4, v5  }
0x6e: {  	v19 =	vadd.s32 v19, v57;
	v20 =	vadd.s32 v55, v60;
	v13 =	vand.u32 $0x7FFF0000, v17;
	v4, _, _ =	vpop (xrf0)  }
0x6f: {  	v5 =	vperm.xlane v19, v1;
	v63 =	vadd.s32 v18, v20;
	v16 =	vadd.s32 v56, v4  }
0x70: {  	v19 =	vshll.u32 v19, $0x1;
	v11 =	vadd.s32 v13, v63;
	v61 =	vshrl.u32 v16, $0xF  }
0x71: {  	v3 =	vperm.xlane v16, v1;
	v16 =	vshll.u32 v16, $0x10;
	v22 =	vadd.s32 v58, v61  }
0x72: {  	[tilespmem:s5+$0xFFFFFFF0] =	vst v8;
	v13 =	vand.u32 $0x7FFFFFFF, v15;
	v16 =	vand.u32 $0x7FFF0000, v16;
	v19 =	vadd.s32 v19, v22  }
0x73: {  	[tilespmem:s5+$0x10] =	vst v9;
	v4 =	vperm.xlane v58, v1;
	v8 =	vshrl.u32 v11, $0x1F;
	v9 =	vadd.s32 v16, v19  }
0x74: {  	s7 =	simm.s32 $0xA0;
	s4 =	sadd.s32 $0x600, s4;
	s6 =	simm.s32 $0x40;
	[tilespmem:s5+$0x0] =	vst v7;
	v11 =	vand.u32 $0x7FFFFFFF, v11;
	v7 =	vshrl.u32 v9, $0x1F;
	v9 =	vand.u32 $0x7FFFFFFF, v9  }
.LBB2_1:
0x75: {  	v14 =	vld [tilespmem:s7+$0x10];
	s6 =	sadd.s32 $0x40, s6;
	v10 =	vadd.s32 v13, v10;
	v8 =	vadd.s32 v11, v8;
	v7 =	vadd.s32 v9, v7  }
0x76: {  	v6 =	vadd.s32 v12, v6;
	v9 =	vld [tilespmem:s7+$0x0];
	p0 =	slt.u32 s6, $0x7C0;
	v11 =	vadd.s32 $0x80000001, v8;
	v12 =	vadd.s32 $0x80000001, v7  }
0x77: {  	s3 =	sadd.s32 $0x40, s3;
	v15 =	vadd.s32 $0x80000001, v6;
	v16 =	vadd.s32 $0x80000001, v10;
	v13 =	vld [tilespmem:s7+$0xFFFFFFF0];
	v7 =	vmin.u32 v7, v12  }
0x78: {  	v6 =	vmin.u32 v6, v15;
	v10 =	vmin.u32 v10, v16;
	v8 =	vmin.u32 v8, v11;
	v12 =	vld [tilespmem:s3+$0x10]  }
0x79: {  	v10 =	vand.u32 $0xFFFF, v10;
	v8 =	vand.u32 $0xFFFF, v8;
	v7 =	vand.u32 $0xFFFF, v7;
	v11 =	vld [tilespmem:s3+$0x0]  }
0x7a: {  	s5 =	sadd.s32 $0x40, s5;
	v6 =	vand.u32 $0xFFFF, v6;
	v8 =	vadd.s32 $0x1, v8;
	v7 =	vadd.s32 $0x1, v7;
	v15 =	vld [tilespmem:s3+$0xFFFFFFF0]  }
0x7b: {  	v6 =	vadd.s32 $0x1, v6;
	v10 =	vadd.s32 $0x1, v10;
	v16 =	vld [tilespmem:s7+$0xFFFFFFE0];
	[tilespmem:s5+$0x10] =	vst v7  }
0x7c: {  	vm0 =	vne.s32 v14, $0x0;
	vm2 =	vne.s32 v9, $0x0;
	v7 =	vld [tilespmem:s3+$0xFFFFFFE0];
	vm1 =	vne.s32 v13, $0x0;
	[tilespmem:s5+$0x0] =	vst v8  }
0x7d: {  	v8 =	vand.u32 $0xFFFF, v14;
	v14 =	vshrl.u32 v14, $0x10;
	v17 =	vand.u32 $0xFFFF, v12;
	[tilespmem:s5+$0xFFFFFFF0] =	vst v10  }
0x7e: {  	v10 =	vand.u32 $0xFFFF, v9;
	v9 =	vshrl.u32 v9, $0x10;
	v12 =	vshrl.u32 v12, $0x10;
	[tilespmem:s5+$0xFFFFFFE0] =	vst v6  }
0x7f: {  	v6 =	vand.u32 $0xFFFF, v13;
	v18 =	vand.u32 $0xFFFF, v11;
	v11 =	vshrl.u32 v11, $0x10  }
0x80: {  	v13 =	vshrl.u32 v13, $0x10;
	v19 =	vand.u32 $0xFFFF, v15;
	v15 =	vshrl.u32 v15, $0x10  }
0x81: {  	v20 =	vand.u32 $0xFFFF, v16;
	v21 =	vshrl.u32 v16, $0x10;
	v22 =	vand.u32 $0xFFFF, v7  }
0x82: {  	v23 =	vmul.u32 v8, v17;
	v24 =	vmul.u32 v14, v12;
	v7 =	vshrl.u32 v7, $0x10  }
0x83: {  	v14 =	vmul.u32 v14, v17;
	v8 =	vmul.u32 v8, v12;
	v25 =	vmul.u32 v9, v11  }
0x84: {  	v26 =	vmul.u32 v10, v18;
	v12 =	vmul.u32 v21, v22;
	v17 =	vmul.u32 v20, v7  }
0x85: {  	v27 =	vmul.u32 v13, v15;
	v20 =	vmul.u32 v20, v22;
	v22 =	vmul.u32 v6, v19  }
0x86: {  	v13 =	vmul.u32 v13, v19;
	v7 =	vmul.u32 v21, v7;
	v12 =	vadd.s32 v17, v12  }
0x87: {  	v6 =	vmul.u32 v6, v15;
	v17 =	vand.u32 $0xFFFF, v20;
	v19 =	vshrl.u32 v12, $0x10  }
0x88: {  	v15 =	vshrl.u32 v20, $0x10;
	v12 =	vand.u32 $0xFFFF, v12;
	v7 =	vadd.s32 v7, v19;
	(xrf0) =	vadd.scan.msk.s32 $0xffff, v17  }
0x89: {  	v9 =	vmul.u32 v9, v18;
	v6 =	vadd.s32 v6, v13;
	v12 =	vadd.s32 v15, v12;
	(xrf0) =	vadd.scan.msk.s32 $0xffff, v7  }
0x8a: {  	v10 =	vmul.u32 v10, v11;
	v13 =	vshrl.u32 v6, $0x10;
	v7 =	vand.u32 $0xFFFF, v22;
	(xrf0) =	vadd.scan.msk.s32 $0xffff, v12  }
0x8b: {  	v11 =	vshrl.u32 v22, $0x10;
	v6 =	vand.u32 $0xFFFF, v6;
	v12 =	vadd.s32 v27, v13;
	(xrf0) =	vadd.scan.msk.s32 $0xffff, v7  }
0x8c: {  	v6 =	vadd.s32 v11, v6;
	v7 =	vadd.s32 v10, v9;
	v9 =	vand.u32 $0xFFFF, v23;
	(xrf0) =	vadd.scan.msk.s32 $0xffff, v12  }
0x8d: {  	v8 =	vadd.s32 v8, v14;
	v10 =	vand.u32 $0xFFFF, v26;
	v11 =	vshrl.u32 v7, $0x10;
	(xrf0) =	vadd.scan.msk.s32 $0xffff, v6  }
0x8e: {  	v7 =	vand.u32 $0xFFFF, v7;
	v6 =	vshrl.u32 v26, $0x10;
	v11 =	vadd.s32 v25, v11;
	v12, _, _ =	vpop (xrf0);
	(xrf0) =	vadd.scan.msk.s32 $0xffff, v10  }
0x8f: {  	v14 =	vshrl.u32 v8, $0x10;
	v6 =	vadd.s32 v6, v7;
	v7 =	vshrl.u32 v23, $0x10;
	v13, _, _ =	vpop (xrf0);
	(xrf0) =	vadd.scan.msk.s32 $0xffff, v11  }
0x90: {  	v11 =	vadd.s32 v4, v12;
	v4 =	vand.u32 $0xFFFF, v8;
	v8 =	vadd.s32 v24, v14;
	v10, _, _ =	vpop (xrf0);
	(xrf0) =	vadd.scan.msk.s32 $0xffff, v6  }
0x91: {  	v6 =	vadd.s32 v3, v10;
	v10 =	vadd.s32 v5, v13;
	v3 =	vperm.xlane v11, v1;
	v5, _, _ =	vpop (xrf0);
	(xrf0) =	vadd.scan.msk.s32 $0xffff, v9  }
0x92: {  	v4 =	vadd.s32 v7, v4;
	v9 =	vperm.xlane v6, v1;
	v12 =	vperm.xlane v10, v1;
	v7, _, _ =	vpop (xrf0);
	(xrf0) =	vadd.scan.msk.s32 $0xffff, v8  }
0x93: {  	vm3 =	vne.s32 v16, $0x0;
	v8 =	vadd.s32 v3, v5;
	v3 =	vsel vm2, $0x1, v0;
	v5, _, _ =	vpop (xrf0);
	(xrf0) =	vadd.scan.msk.s32 $0xffff, v4  }
0x94: {  	v9 =	vadd.s32 v9, v5;
	v7 =	vadd.s32 v12, v7;
	v17 =	vperm.xlane v8, v1;
	v5, _, _ =	vpop (xrf0)  }
0x95: {  	v12 =	vsel vm3, $0x1, v0;
	v13 =	vperm.xlane v9, v1;
	v14 =	vperm.xlane v7, v1;
	v15, _, _ =	vpop (xrf0)  }
0x96: {  	v2 =	vadd.s32 v12, v2;
	v12 =	vsel vm1, $0x1, v0;
	v16 =	vadd.s32 v17, v5;
	v4, _, _ =	vpop (xrf0)  }
0x97: {  	v13 =	vadd.s32 v13, v4;
	v14 =	vadd.s32 v14, v15;
	v19 =	vperm.xlane v16, v1;
	v5, _, _ =	vpop (xrf0)  }
0x98: {  	v2 =	vadd.s32 v12, v2;
	v12 =	vperm.xlane v13, v1;
	v15 =	vperm.xlane v14, v1;
	v17, _, _ =	vpop (xrf0)  }
0x99: {  	v2 =	vadd.s32 v3, v2;
	v3 =	vsel vm0, $0x1, v0;
	v18 =	vadd.s32 v19, v5;
	v4, _, _ =	vpop (xrf0)  }
0x9a: {  	v12 =	vadd.s32 v12, v4;
	v15 =	vadd.s32 v15, v17;
	v4 =	vperm.xlane v18, v1  }
0x9b: {  	v2 =	vadd.s32 v3, v2;
	v3 =	vperm.xlane v12, v1;
	v5 =	vperm.xlane v15, v1  }
0x9c: {  	v19 =	vshrl.u32 v13, $0xF;
	v17 =	vshrl.u32 v9, $0xF;
	v20 =	vshrl.u32 v12, $0xF  }
0x9d: {  	v21 =	vshrl.u32 v6, $0xF;
	v15 =	vshll.u32 v15, $0x1;
	v18 =	vadd.s32 v18, v20  }
0x9e: {  	v14 =	vshll.u32 v14, $0x1;
	v16 =	vadd.s32 v16, v19;
	v12 =	vshll.u32 v12, $0x10  }
0x9f: {  	v7 =	vshll.u32 v7, $0x1;
	v13 =	vshll.u32 v13, $0x10;
	v8 =	vadd.s32 v8, v17  }
0xa0: {  	v10 =	vshll.u32 v10, $0x1;
	v11 =	vadd.s32 v11, v21;
	v9 =	vshll.u32 v9, $0x10  }
0xa1: {  	v6 =	vshll.u32 v6, $0x10;
	v12 =	vand.u32 $0x7FFF0000, v12;
	v15 =	vadd.s32 v15, v18  }
0xa2: {  	v7 =	vadd.s32 v7, v8;
	v8 =	vand.u32 $0x7FFF0000, v13;
	v13 =	vadd.s32 v14, v16  }
.Ltmp0:
0xa3: {  	v6 =	vand.u32 $0x7FFF0000, v6;
	v10 =	vadd.s32 v10, v11;
	v9 =	vand.u32 $0x7FFF0000, v9;
	(pc) =	sbr.rel @p0 .LBB2_1-.Ltmp0, $4  }
0xa4: {  	v14 =	vadd.s32 v9, v7;
	v11 =	vadd.s32 v8, v13;
	v8 =	vadd.s32 v12, v15  }
0xa5: {  	v12 =	vadd.s32 v6, v10;
	v7 =	vshrl.u32 v8, $0x1F;
	v9 =	vand.u32 $0x7FFFFFFF, v8  }
0xa6: {  	v10 =	vshrl.u32 v14, $0x1F;
	v8 =	vshrl.u32 v11, $0x1F;
	v11 =	vand.u32 $0x7FFFFFFF, v11  }
0xa7: {  	s7 =	sadd.s32 $0x40, s7;
	v13 =	vand.u32 $0x7FFFFFFF, v14;
	v6 =	vshrl.u32 v12, $0x1F;
	v12 =	vand.u32 $0x7FFFFFFF, v12  }
0xa8: {  	(xrf0) =	vadd.scan.msk.s32 $0xffff, v2;
	_ =	sdelay $0x5  }
0xa9: {  	v1, _, _ =	vpop (xrf0)  }
0xaa: {  	(v2sf) =	vpush v1, $0xF;
	_ =	sdelay $0xc  }
0xab: {  	v0 =	vadd.s32 v13, v10;
	v2 =	vadd.s32 v9, v7  }
0xac: {  	v3 =	vadd.s32 v11, v8;
	v4 =	vadd.s32 v12, v6;
	v5 =	vadd.s32 $0x80000001, v2  }
0xad: {  	s3 =	sadd.s32 $0x40, s5;
	v61 =	vadd.s32 $0x80000001, v3;
	v62 =	vadd.s32 $0x80000001, v4;
	v2 =	vmin.u32 v2, v5;
	s5 =	spop (v2sf)  }
0xae: {  	v63 =	vadd.s32 $0x80000001, v0;
	v3 =	vmin.u32 v3, v61;
	v2 =	vand.u32 $0xFFFF, v2;
	p0 =	sgt.u32 s5, $0x7FF  }
.Ltmp1:
0xaf: {  	v0 =	vmin.u32 v0, v63;
	v3 =	vand.u32 $0xFFFF, v3;
	v2 =	vadd.s32 $0x1, v2;
	(pc) =	sbr.rel @p0 .LBB2_8-.Ltmp1, $4  }
0xb0: {  	s31 =	sshll.u32 s1, $0x4;
	v4 =	vmin.u32 v4, v62;
	v0 =	vand.u32 $0xFFFF, v0;
	v3 =	vadd.s32 $0x1, v3;
	[tilespmem:s3+$0x10] =	vst v2  }
0xb1: {  	s6 =	sand.u32 $0x70, s31;
	v0 =	vadd.s32 $0x1, v0;
	v2 =	vand.u32 $0xFFFF, v4;
	[tilespmem:s3+$0x0] =	vst v3  }
0xb2: {  	s2 =	sand.u32 $0x800, s2;
	s4 =	sadd.s32 s4, s6;
	[tilespmem:s3+$0xFFFFFFF0] =	vst v0;
	v2 =	vadd.s32 $0x1, v2  }
0xb3: {  	s2 =	sadd.s32 s2, s4;
	[tilespmem:s3+$0xFFFFFFE0] =	vst v2;
	s3 =	simm.s32 $0x1080  }
0xb4: {  	s4 =	sadd.s32 $0xFFFFFFFF, s5  }
0xb5: {  	p0 =	sgt.s32 s4, $0x0  }
0xb6: {  	s4 =	simm.s32 @!p0 $0x0  }
0xb7: {  	s4 =	smin.u32 s4, $0x7FF  }
0xb8: {  	s30 =	sshrl.u32 s5, $0x4;
	v0 =	vmov s4  }
0xb9: {  	s7 =	ssub.s32 $0x80, s30;
	v0 =	vbroadcast v0, $0x0  }
0xba: {  	p1 =	sne.s32 s7, $0x1  }
.Ltmp2:
0xbb: {  	s6 =	sshll.u32 s30, $0x6;
	(pc) =	sbr.rel @!p1 .LBB2_4-.Ltmp2, $4  }
0xbc: {  	s31 =	sshra.s32 s6, $0x2  }
0xbd: {  	s4 =	sadd.s32 $0x1080, s31  }
0xbe: {  	v3 =	vld [tilespmem:s4+$0x0]  }
0xbf: {  	v1 =	vbroadcast v1, $0xF;
	s5 =	sand.u32 $0xFFFFFFF0, s5;
	v2 =	vlaneseq.u32;
	s6 =	sadd.s32 $0xFFFFFFFF, s7;
	p0 =	por $0x0, $0x0;
	v0 =	vld.idx.msk [tilespmem:v0+s3+$0x0], $0xffff  }
0xc0: {  	_ = 	snop  }
0xc1: {  	p1 =	sne.s32 s6, $0x1  }
.Ltmp3:
0xc2: {  	v4 =	vor.u32 s5, v2;
	(pc) =	sbr.rel @!p1 .LBB2_7-.Ltmp3, $4  }
0xc3: {  	vm0 =	vlt.s32 v4, v1  }
0xc4: {  	v3 =	vsel vm0, v3, v0  }
0xc5: {  	[tilespmem:s4+$0x0] =	vst v3;
	s4 =	sadd.s32 $0x10, s4  }
0xc6: {  	s7 =	sadd.s32 $0xFFFFFFFF, s6;
	p0 =	por $0x1, $0x1;
	s6 =	smov.u32 s5;
	v3 =	vld [tilespmem:s4+$0x0]  }
.LBB2_6:
0xc7: {  	p1 =	sne.s32 s7, $0x1  }
0xc8: {  	s6 =	sadd.s32 $0x10, s6  }
.Ltmp4:
0xc9: {  	v4 =	vor.u32 s6, v2;
	(pc) =	sbr.rel @p1 .LBB2_6-.Ltmp4, $4  }
0xca: {  	vm0 =	vlt.s32 v4, v1  }
0xcb: {  	v3 =	vsel vm0, v3, v0  }
0xcc: {  	[tilespmem:s4+$0x0] =	vst v3;
	s4 =	sadd.s32 $0x10, s4  }
0xcd: {  	s7 =	sadd.s32 $0xFFFFFFFF, s7;
	v3 =	vld [tilespmem:s4+$0x0]  }
.LBB2_7:
0xce: {  	s6 =	sadd.s32 @p0 $0x10, s6  }
0xcf: {  	s5 =	smov.u32 @p0 s6  }
0xd0: {  	v2 =	vor.u32 s5, v2  }
0xd1: {  	vm0 =	vlt.s32 v2, v1  }
0xd2: {  	v0 =	vsel vm0, v3, v0  }
0xd3: {  	[tilespmem:s4+$0x0] =	vst v0  }
.LBB2_8:
0xd4: {  	s4 =	simm.s32 $0x80;
	s5 =	simm.s32 $0x400;
	s31 =	simm.s32 $0x2  }
0xd5: {  	[hbm4b:s2+s4] =	stream.strided.scatter [tilespmem:s3], [sflag:$0x2], $0x800, s5, s4, $0x38;
	[tilespmem:$0x1880] =	vst v63  }
0xd6: {  	_ =	swait.ge [sflag:s31], $0x800  }
0xd7: {  	[sflag:s31] =	ssyncset.done $0x0  }
0xd8: {  	[sflag:s31] =	ssyncadd.s32 $0xFFFFF800  }
0xd9: {  	_ =	sfence.sel $0x180000  }
0xda: {  	[bflag:$0x0] =	sbarrier.arrive $0xFFFF  }
0xdb: {  	p0 =	sne.s32 s1, $0x0;
	_ =	strace $0x90000047  }
0xdc: {  	s0 =	sadd.s32 @!p0 $0x100000, s0;
	[bflag:$0x2] =	sbarrier.arrive $0xFFFF  }
0xdd: {  	[sflag:s0] =	ssyncadd.tile.s32 @!p0 $0x1;
	_ =	shalt  }
.LBB2_4:
.Ltmp5:
0xde: {  	(pc) =	sbr.rel .LBB2_7-.Ltmp5, $2  }
0xdf: {  	_ =	sdelay $0x2  }
0xe0: {  	s6 =	smov.u32 s5  }
.Lfunc_end2:
_tile_overlayer_lowered:
.L_overlay_start_2:
0xe1: {  	(tag) =	ssettag $0x2  }
0xe2: {  	s0 =	rddreg [dreg:$0x0];
	s2 =	stileid.u32  }
0xe3: {  	s1 =	rddreg [dreg:$0x1];
	p0 =	sne.s32 s2, $0x0  }
0xe4: {  	s3 =	rddreg [dreg:$0x2];
	[bflag:$0x3] =	sbarrier.arrive $0xFFFF;
	s2 =	simm.s32 @!p0 $0x1C02  }
0xe5: {  	[timem:s3], [sflag:s2] =	dma.local @!p0 [hbm:s0], s1  }
0xe6: {  	s0 =	simm.s32 @!p0 $0x2  }
0xe7: {  	_ =	swait.ge @!p0 [sflag:s0], s1  }
0xe8: {  	s1 =	ssub.s32 @!p0 $0x0, s1;
	[sflag:s0] =	ssyncset.done @!p0 $0x0  }
0xe9: {  	[sflag:s0] =	ssyncadd.s32 @!p0 s1  }
0xea: {  	[bflag:$0x3] =	sbarrier.arrive $0xFFFF  }
0xeb: {  	_ =	shalt  }

</sc_bundles>
